<compile_context>
chip_gen: v7x
topology: tpu7x:2x2x1
jax: 0.10.2.dev20260603
libtpu: 0.0.44.dev20260713+nightly
codegen_flags: <defaults>
</compile_context>

<pallas_src>
import jax
import jax.numpy as jnp
from jax import lax
from jax.experimental import pallas as pl
from jax.experimental.pallas import tpu as pltpu
from jax.experimental.pallas import tpu_sc as plsc

_NC = 2
_NS = 16
_NW = _NC * _NS
_L = 16
_UNROLL = 16


def _pe_body(x_hbm, emb_hbm, out_hbm, sbuf, lsem, ssem, B, S, D):
    span = S // _NW
    espan = span * D
    rows = span // 2
    chunk = rows * D
    sid = lax.axis_index("s")
    wid = sid * _NC + lax.axis_index("c")
    soff = wid * span
    loads = []
    for b in range(B):
        for q in range(2):
            xoff = (b * S + soff + q * rows) * D
            loads.append(pltpu.async_copy(
                x_hbm.at[pl.ds(xoff, chunk)], sbuf.at[sid], lsem))
    for cp in loads:
        cp.wait()
    stores = []
    for b in range(B):
        for q in range(2):
            xoff = (b * S + soff + q * rows) * D
            stores.append(pltpu.async_copy(
                sbuf.at[sid], out_hbm.at[pl.ds(xoff, chunk)], ssem))
    for cp in stores:
        cp.wait()


def kernel(x, emb_table):
    B, S, D = x.shape
    span = S // _NW
    mesh = plsc.VectorSubcoreMesh(
        core_axis_name="c", subcore_axis_name="s",
        num_cores=_NC, num_subcores=_NS,
    )
    f = pl.kernel(
        lambda xh, eh, oh, sb, ls, ss: _pe_body(
            xh, eh, oh, sb, ls, ss, B, S, D),
        out_type=jax.ShapeDtypeStruct((B * S * D,), x.dtype),
        mesh=mesh,
        scratch_types=[
            pltpu.VMEM_SHARED((_NS, span // 2 * D), jnp.float32),
            pltpu.SemaphoreType.DMA,
            pltpu.SemaphoreType.DMA,
        ],
    )
    out = f(x.reshape(-1), emb_table.reshape(-1))
    return out.reshape(B, S, D)

# --- scband reference (transcript-rebuilt; emitter-appended) ---
"""Pipeline reference for scband-positional-encoding-66649302499960 (READ-ONLY COPY).

The authoritative reference and input builder live on the scoring server;
editing this copy changes nothing except your own understanding.
"""

import jax, jax.numpy as jnp
import numpy as np

D_MODEL = 1024
NUM_POSITIONS = 2048
BATCH = 4
SEQ_LEN = 2048

def setup_inputs(seed: int = 0) -> dict:
    key = jax.random.key(seed)
    k1, k2 = jax.random.split(key)
    x = jax.random.normal(k1, (BATCH, SEQ_LEN, D_MODEL), dtype=jnp.float32)
    # nn.Embedding default init: N(0, 1)
    emb_table = jax.random.normal(k2, (NUM_POSITIONS, D_MODEL), dtype=jnp.float32)
    return {"x": x, "emb_table": emb_table}

def reference(x, emb_table):
    input_size = x.shape[-2]
    indices_to_embed = jnp.arange(input_size, dtype=jnp.int32)
    # batched=True path: gather positional rows, unsqueeze batch dim, add
    emb = jnp.take(emb_table, indices_to_embed, axis=0)  # [seq_len, d_model]
    emb_unsq = emb[None, :, :]  # [1, seq_len, d_model]
    return x + emb_unsq

if __name__ == "__main__":
    import jax
    _d = setup_inputs()
    print(jax.jit(kernel)(*tuple(_d.values())))

</pallas_src>

<mosaic_0001>
#map = affine_map<(d0, d1) -> (0)>
module attributes {stable_mosaic.version = 14 : i64} {
  func.func @_lambda_(%arg0: i32, %arg1: i32, %arg2: memref<8388608xf32, #tpu.memory_space<hbm>>, %arg3: memref<2097152xf32, #tpu.memory_space<hbm>>, %arg4: memref<8388608xf32, #tpu.memory_space<hbm>>, %arg5: memref<16x32768xf32, #tpu.memory_space<vmem_shared>>, %arg6: memref<!tpu.dma_semaphore, #tpu.memory_space<semaphore_mem>>, %arg7: memref<!tpu.dma_semaphore, #tpu.memory_space<semaphore_mem>>) attributes {dimension_semantics = [#tpu.dimension_semantics<core_parallel>, #tpu.dimension_semantics<subcore_parallel>], iteration_bounds = array<i64: 2, 16>, scalar_prefetch = 0 : i64, scratch_operands = 3 : i64, tpu.core_type = #tpu.core_type<sc_vector_subcore>, window_params = [{transform_indices = #map}, {transform_indices = #map}, {transform_indices = #map}]} {
    %mul3A = arith.constant 2 : i32
    %mul3A_0 = arith.muli %arg1, %mul3A : i32
    %add3A = arith.addi %mul3A_0, %arg0 : i32
    %mul3A_1 = arith.constant 64 : i32
    %mul3A_2 = arith.muli %add3A, %mul3A_1 : i32
    %add3A_3 = arith.constant 0 : i32
    %add3A_4 = arith.addi %add3A_3, %mul3A_2 : i32
    %add3A_5 = arith.constant 0 : i32
    %add3A_6 = arith.addi %add3A_4, %add3A_5 : i32
    %mul3A_7 = arith.constant 1024 : i32
    %mul3A_8 = arith.muli %add3A_6, %mul3A_7 : i32
    %dma_start3A = arith.constant 0 : i32
    %dma_start3A_9 = tpu.memref_slice %arg5[%arg1, %dma_start3A] : memref<16x32768xf32, #tpu.memory_space<vmem_shared>> -> memref<1x32768xf32, #tpu.memory_space<vmem_shared>>
    %dma_start3A_10 = tpu.memref_squeeze %dma_start3A_9 : memref<1x32768xf32, #tpu.memory_space<vmem_shared>> -> memref<32768xf32, #tpu.memory_space<vmem_shared>>
    %dma_start3A_11 = tpu.memref_slice %arg2[%mul3A_8] : memref<8388608xf32, #tpu.memory_space<hbm>> -> memref<32768xf32, #tpu.memory_space<hbm>>
    tpu.enqueue_dma source(%dma_start3A_11 : memref<32768xf32, #tpu.memory_space<hbm>>) target(%dma_start3A_10 : memref<32768xf32, #tpu.memory_space<vmem_shared>>) target_semaphore(%arg6 : memref<!tpu.dma_semaphore, #tpu.memory_space<semaphore_mem>>)
    %add3A_12 = arith.constant 0 : i32
    %add3A_13 = arith.addi %add3A_12, %mul3A_2 : i32
    %add3A_14 = arith.constant 32 : i32
    %add3A_15 = arith.addi %add3A_13, %add3A_14 : i32
    %mul3A_16 = arith.constant 1024 : i32
    %mul3A_17 = arith.muli %add3A_15, %mul3A_16 : i32
    %dma_start3A_18 = arith.constant 0 : i32
    %dma_start3A_19 = tpu.memref_slice %arg5[%arg1, %dma_start3A_18] : memref<16x32768xf32, #tpu.memory_space<vmem_shared>> -> memref<1x32768xf32, #tpu.memory_space<vmem_shared>>
    %dma_start3A_20 = tpu.memref_squeeze %dma_start3A_19 : memref<1x32768xf32, #tpu.memory_space<vmem_shared>> -> memref<32768xf32, #tpu.memory_space<vmem_shared>>
    %dma_start3A_21 = tpu.memref_slice %arg2[%mul3A_17] : memref<8388608xf32, #tpu.memory_space<hbm>> -> memref<32768xf32, #tpu.memory_space<hbm>>
    tpu.enqueue_dma source(%dma_start3A_21 : memref<32768xf32, #tpu.memory_space<hbm>>) target(%dma_start3A_20 : memref<32768xf32, #tpu.memory_space<vmem_shared>>) target_semaphore(%arg6 : memref<!tpu.dma_semaphore, #tpu.memory_space<semaphore_mem>>)
    %add3A_22 = arith.constant 2048 : i32
    %add3A_23 = arith.addi %add3A_22, %mul3A_2 : i32
    %add3A_24 = arith.constant 0 : i32
    %add3A_25 = arith.addi %add3A_23, %add3A_24 : i32
    %mul3A_26 = arith.constant 1024 : i32
    %mul3A_27 = arith.muli %add3A_25, %mul3A_26 : i32
    %dma_start3A_28 = arith.constant 0 : i32
    %dma_start3A_29 = tpu.memref_slice %arg5[%arg1, %dma_start3A_28] : memref<16x32768xf32, #tpu.memory_space<vmem_shared>> -> memref<1x32768xf32, #tpu.memory_space<vmem_shared>>
    %dma_start3A_30 = tpu.memref_squeeze %dma_start3A_29 : memref<1x32768xf32, #tpu.memory_space<vmem_shared>> -> memref<32768xf32, #tpu.memory_space<vmem_shared>>
    %dma_start3A_31 = tpu.memref_slice %arg2[%mul3A_27] : memref<8388608xf32, #tpu.memory_space<hbm>> -> memref<32768xf32, #tpu.memory_space<hbm>>
    tpu.enqueue_dma source(%dma_start3A_31 : memref<32768xf32, #tpu.memory_space<hbm>>) target(%dma_start3A_30 : memref<32768xf32, #tpu.memory_space<vmem_shared>>) target_semaphore(%arg6 : memref<!tpu.dma_semaphore, #tpu.memory_space<semaphore_mem>>)
    %add3A_32 = arith.constant 2048 : i32
    %add3A_33 = arith.addi %add3A_32, %mul3A_2 : i32
    %add3A_34 = arith.constant 32 : i32
    %add3A_35 = arith.addi %add3A_33, %add3A_34 : i32
    %mul3A_36 = arith.constant 1024 : i32
    %mul3A_37 = arith.muli %add3A_35, %mul3A_36 : i32
    %dma_start3A_38 = arith.constant 0 : i32
    %dma_start3A_39 = tpu.memref_slice %arg5[%arg1, %dma_start3A_38] : memref<16x32768xf32, #tpu.memory_space<vmem_shared>> -> memref<1x32768xf32, #tpu.memory_space<vmem_shared>>
    %dma_start3A_40 = tpu.memref_squeeze %dma_start3A_39 : memref<1x32768xf32, #tpu.memory_space<vmem_shared>> -> memref<32768xf32, #tpu.memory_space<vmem_shared>>
    %dma_start3A_41 = tpu.memref_slice %arg2[%mul3A_37] : memref<8388608xf32, #tpu.memory_space<hbm>> -> memref<32768xf32, #tpu.memory_space<hbm>>
    tpu.enqueue_dma source(%dma_start3A_41 : memref<32768xf32, #tpu.memory_space<hbm>>) target(%dma_start3A_40 : memref<32768xf32, #tpu.memory_space<vmem_shared>>) target_semaphore(%arg6 : memref<!tpu.dma_semaphore, #tpu.memory_space<semaphore_mem>>)
    %add3A_42 = arith.constant 4096 : i32
    %add3A_43 = arith.addi %add3A_42, %mul3A_2 : i32
    %add3A_44 = arith.constant 0 : i32
    %add3A_45 = arith.addi %add3A_43, %add3A_44 : i32
    %mul3A_46 = arith.constant 1024 : i32
    %mul3A_47 = arith.muli %add3A_45, %mul3A_46 : i32
    %dma_start3A_48 = arith.constant 0 : i32
    %dma_start3A_49 = tpu.memref_slice %arg5[%arg1, %dma_start3A_48] : memref<16x32768xf32, #tpu.memory_space<vmem_shared>> -> memref<1x32768xf32, #tpu.memory_space<vmem_shared>>
    %dma_start3A_50 = tpu.memref_squeeze %dma_start3A_49 : memref<1x32768xf32, #tpu.memory_space<vmem_shared>> -> memref<32768xf32, #tpu.memory_space<vmem_shared>>
    %dma_start3A_51 = tpu.memref_slice %arg2[%mul3A_47] : memref<8388608xf32, #tpu.memory_space<hbm>> -> memref<32768xf32, #tpu.memory_space<hbm>>
    tpu.enqueue_dma source(%dma_start3A_51 : memref<32768xf32, #tpu.memory_space<hbm>>) target(%dma_start3A_50 : memref<32768xf32, #tpu.memory_space<vmem_shared>>) target_semaphore(%arg6 : memref<!tpu.dma_semaphore, #tpu.memory_space<semaphore_mem>>)
    %add3A_52 = arith.constant 4096 : i32
    %add3A_53 = arith.addi %add3A_52, %mul3A_2 : i32
    %add3A_54 = arith.constant 32 : i32
    %add3A_55 = arith.addi %add3A_53, %add3A_54 : i32
    %mul3A_56 = arith.constant 1024 : i32
    %mul3A_57 = arith.muli %add3A_55, %mul3A_56 : i32
    %dma_start3A_58 = arith.constant 0 : i32
    %dma_start3A_59 = tpu.memref_slice %arg5[%arg1, %dma_start3A_58] : memref<16x32768xf32, #tpu.memory_space<vmem_shared>> -> memref<1x32768xf32, #tpu.memory_space<vmem_shared>>
    %dma_start3A_60 = tpu.memref_squeeze %dma_start3A_59 : memref<1x32768xf32, #tpu.memory_space<vmem_shared>> -> memref<32768xf32, #tpu.memory_space<vmem_shared>>
    %dma_start3A_61 = tpu.memref_slice %arg2[%mul3A_57] : memref<8388608xf32, #tpu.memory_space<hbm>> -> memref<32768xf32, #tpu.memory_space<hbm>>
    tpu.enqueue_dma source(%dma_start3A_61 : memref<32768xf32, #tpu.memory_space<hbm>>) target(%dma_start3A_60 : memref<32768xf32, #tpu.memory_space<vmem_shared>>) target_semaphore(%arg6 : memref<!tpu.dma_semaphore, #tpu.memory_space<semaphore_mem>>)
    %add3A_62 = arith.constant 6144 : i32
    %add3A_63 = arith.addi %add3A_62, %mul3A_2 : i32
    %add3A_64 = arith.constant 0 : i32
    %add3A_65 = arith.addi %add3A_63, %add3A_64 : i32
    %mul3A_66 = arith.constant 1024 : i32
    %mul3A_67 = arith.muli %add3A_65, %mul3A_66 : i32
    %dma_start3A_68 = arith.constant 0 : i32
    %dma_start3A_69 = tpu.memref_slice %arg5[%arg1, %dma_start3A_68] : memref<16x32768xf32, #tpu.memory_space<vmem_shared>> -> memref<1x32768xf32, #tpu.memory_space<vmem_shared>>
    %dma_start3A_70 = tpu.memref_squeeze %dma_start3A_69 : memref<1x32768xf32, #tpu.memory_space<vmem_shared>> -> memref<32768xf32, #tpu.memory_space<vmem_shared>>
    %dma_start3A_71 = tpu.memref_slice %arg2[%mul3A_67] : memref<8388608xf32, #tpu.memory_space<hbm>> -> memref<32768xf32, #tpu.memory_space<hbm>>
    tpu.enqueue_dma source(%dma_start3A_71 : memref<32768xf32, #tpu.memory_space<hbm>>) target(%dma_start3A_70 : memref<32768xf32, #tpu.memory_space<vmem_shared>>) target_semaphore(%arg6 : memref<!tpu.dma_semaphore, #tpu.memory_space<semaphore_mem>>)
    %add3A_72 = arith.constant 6144 : i32
    %add3A_73 = arith.addi %add3A_72, %mul3A_2 : i32
    %add3A_74 = arith.constant 32 : i32
    %add3A_75 = arith.addi %add3A_73, %add3A_74 : i32
    %mul3A_76 = arith.constant 1024 : i32
    %mul3A_77 = arith.muli %add3A_75, %mul3A_76 : i32
    %dma_start3A_78 = arith.constant 0 : i32
    %dma_start3A_79 = tpu.memref_slice %arg5[%arg1, %dma_start3A_78] : memref<16x32768xf32, #tpu.memory_space<vmem_shared>> -> memref<1x32768xf32, #tpu.memory_space<vmem_shared>>
    %dma_start3A_80 = tpu.memref_squeeze %dma_start3A_79 : memref<1x32768xf32, #tpu.memory_space<vmem_shared>> -> memref<32768xf32, #tpu.memory_space<vmem_shared>>
    %dma_start3A_81 = tpu.memref_slice %arg2[%mul3A_77] : memref<8388608xf32, #tpu.memory_space<hbm>> -> memref<32768xf32, #tpu.memory_space<hbm>>
    tpu.enqueue_dma source(%dma_start3A_81 : memref<32768xf32, #tpu.memory_space<hbm>>) target(%dma_start3A_80 : memref<32768xf32, #tpu.memory_space<vmem_shared>>) target_semaphore(%arg6 : memref<!tpu.dma_semaphore, #tpu.memory_space<semaphore_mem>>)
    %dma_wait3A = arith.constant 0 : i32
    %dma_wait3A_82 = tpu.memref_slice %arg5[%arg1, %dma_wait3A] : memref<16x32768xf32, #tpu.memory_space<vmem_shared>> -> memref<1x32768xf32, #tpu.memory_space<vmem_shared>>
    %dma_wait3A_83 = tpu.memref_squeeze %dma_wait3A_82 : memref<1x32768xf32, #tpu.memory_space<vmem_shared>> -> memref<32768xf32, #tpu.memory_space<vmem_shared>>
    %dma_wait3A_84 = tpu.memref_slice %arg2[%mul3A_8] : memref<8388608xf32, #tpu.memory_space<hbm>> -> memref<32768xf32, #tpu.memory_space<hbm>>
    tpu.wait_dma2 semaphore(%arg6 : memref<!tpu.dma_semaphore, #tpu.memory_space<semaphore_mem>>) src(%dma_wait3A_84 : memref<32768xf32, #tpu.memory_space<hbm>>) dst(%dma_wait3A_83 : memref<32768xf32, #tpu.memory_space<vmem_shared>>)
    %dma_wait3A_85 = arith.constant 0 : i32
    %dma_wait3A_86 = tpu.memref_slice %arg5[%arg1, %dma_wait3A_85] : memref<16x32768xf32, #tpu.memory_space<vmem_shared>> -> memref<1x32768xf32, #tpu.memory_space<vmem_shared>>
    %dma_wait3A_87 = tpu.memref_squeeze %dma_wait3A_86 : memref<1x32768xf32, #tpu.memory_space<vmem_shared>> -> memref<32768xf32, #tpu.memory_space<vmem_shared>>
    %dma_wait3A_88 = tpu.memref_slice %arg2[%mul3A_17] : memref<8388608xf32, #tpu.memory_space<hbm>> -> memref<32768xf32, #tpu.memory_space<hbm>>
    tpu.wait_dma2 semaphore(%arg6 : memref<!tpu.dma_semaphore, #tpu.memory_space<semaphore_mem>>) src(%dma_wait3A_88 : memref<32768xf32, #tpu.memory_space<hbm>>) dst(%dma_wait3A_87 : memref<32768xf32, #tpu.memory_space<vmem_shared>>)
    %dma_wait3A_89 = arith.constant 0 : i32
    %dma_wait3A_90 = tpu.memref_slice %arg5[%arg1, %dma_wait3A_89] : memref<16x32768xf32, #tpu.memory_space<vmem_shared>> -> memref<1x32768xf32, #tpu.memory_space<vmem_shared>>
    %dma_wait3A_91 = tpu.memref_squeeze %dma_wait3A_90 : memref<1x32768xf32, #tpu.memory_space<vmem_shared>> -> memref<32768xf32, #tpu.memory_space<vmem_shared>>
    %dma_wait3A_92 = tpu.memref_slice %arg2[%mul3A_27] : memref<8388608xf32, #tpu.memory_space<hbm>> -> memref<32768xf32, #tpu.memory_space<hbm>>
    tpu.wait_dma2 semaphore(%arg6 : memref<!tpu.dma_semaphore, #tpu.memory_space<semaphore_mem>>) src(%dma_wait3A_92 : memref<32768xf32, #tpu.memory_space<hbm>>) dst(%dma_wait3A_91 : memref<32768xf32, #tpu.memory_space<vmem_shared>>)
    %dma_wait3A_93 = arith.constant 0 : i32
    %dma_wait3A_94 = tpu.memref_slice %arg5[%arg1, %dma_wait3A_93] : memref<16x32768xf32, #tpu.memory_space<vmem_shared>> -> memref<1x32768xf32, #tpu.memory_space<vmem_shared>>
    %dma_wait3A_95 = tpu.memref_squeeze %dma_wait3A_94 : memref<1x32768xf32, #tpu.memory_space<vmem_shared>> -> memref<32768xf32, #tpu.memory_space<vmem_shared>>
    %dma_wait3A_96 = tpu.memref_slice %arg2[%mul3A_37] : memref<8388608xf32, #tpu.memory_space<hbm>> -> memref<32768xf32, #tpu.memory_space<hbm>>
    tpu.wait_dma2 semaphore(%arg6 : memref<!tpu.dma_semaphore, #tpu.memory_space<semaphore_mem>>) src(%dma_wait3A_96 : memref<32768xf32, #tpu.memory_space<hbm>>) dst(%dma_wait3A_95 : memref<32768xf32, #tpu.memory_space<vmem_shared>>)
    %dma_wait3A_97 = arith.constant 0 : i32
    %dma_wait3A_98 = tpu.memref_slice %arg5[%arg1, %dma_wait3A_97] : memref<16x32768xf32, #tpu.memory_space<vmem_shared>> -> memref<1x32768xf32, #tpu.memory_space<vmem_shared>>
    %dma_wait3A_99 = tpu.memref_squeeze %dma_wait3A_98 : memref<1x32768xf32, #tpu.memory_space<vmem_shared>> -> memref<32768xf32, #tpu.memory_space<vmem_shared>>
    %dma_wait3A_100 = tpu.memref_slice %arg2[%mul3A_47] : memref<8388608xf32, #tpu.memory_space<hbm>> -> memref<32768xf32, #tpu.memory_space<hbm>>
    tpu.wait_dma2 semaphore(%arg6 : memref<!tpu.dma_semaphore, #tpu.memory_space<semaphore_mem>>) src(%dma_wait3A_100 : memref<32768xf32, #tpu.memory_space<hbm>>) dst(%dma_wait3A_99 : memref<32768xf32, #tpu.memory_space<vmem_shared>>)
    %dma_wait3A_101 = arith.constant 0 : i32
    %dma_wait3A_102 = tpu.memref_slice %arg5[%arg1, %dma_wait3A_101] : memref<16x32768xf32, #tpu.memory_space<vmem_shared>> -> memref<1x32768xf32, #tpu.memory_space<vmem_shared>>
    %dma_wait3A_103 = tpu.memref_squeeze %dma_wait3A_102 : memref<1x32768xf32, #tpu.memory_space<vmem_shared>> -> memref<32768xf32, #tpu.memory_space<vmem_shared>>
    %dma_wait3A_104 = tpu.memref_slice %arg2[%mul3A_57] : memref<8388608xf32, #tpu.memory_space<hbm>> -> memref<32768xf32, #tpu.memory_space<hbm>>
    tpu.wait_dma2 semaphore(%arg6 : memref<!tpu.dma_semaphore, #tpu.memory_space<semaphore_mem>>) src(%dma_wait3A_104 : memref<32768xf32, #tpu.memory_space<hbm>>) dst(%dma_wait3A_103 : memref<32768xf32, #tpu.memory_space<vmem_shared>>)
    %dma_wait3A_105 = arith.constant 0 : i32
    %dma_wait3A_106 = tpu.memref_slice %arg5[%arg1, %dma_wait3A_105] : memref<16x32768xf32, #tpu.memory_space<vmem_shared>> -> memref<1x32768xf32, #tpu.memory_space<vmem_shared>>
    %dma_wait3A_107 = tpu.memref_squeeze %dma_wait3A_106 : memref<1x32768xf32, #tpu.memory_space<vmem_shared>> -> memref<32768xf32, #tpu.memory_space<vmem_shared>>
    %dma_wait3A_108 = tpu.memref_slice %arg2[%mul3A_67] : memref<8388608xf32, #tpu.memory_space<hbm>> -> memref<32768xf32, #tpu.memory_space<hbm>>
    tpu.wait_dma2 semaphore(%arg6 : memref<!tpu.dma_semaphore, #tpu.memory_space<semaphore_mem>>) src(%dma_wait3A_108 : memref<32768xf32, #tpu.memory_space<hbm>>) dst(%dma_wait3A_107 : memref<32768xf32, #tpu.memory_space<vmem_shared>>)
    %dma_wait3A_109 = arith.constant 0 : i32
    %dma_wait3A_110 = tpu.memref_slice %arg5[%arg1, %dma_wait3A_109] : memref<16x32768xf32, #tpu.memory_space<vmem_shared>> -> memref<1x32768xf32, #tpu.memory_space<vmem_shared>>
    %dma_wait3A_111 = tpu.memref_squeeze %dma_wait3A_110 : memref<1x32768xf32, #tpu.memory_space<vmem_shared>> -> memref<32768xf32, #tpu.memory_space<vmem_shared>>
    %dma_wait3A_112 = tpu.memref_slice %arg2[%mul3A_77] : memref<8388608xf32, #tpu.memory_space<hbm>> -> memref<32768xf32, #tpu.memory_space<hbm>>
    tpu.wait_dma2 semaphore(%arg6 : memref<!tpu.dma_semaphore, #tpu.memory_space<semaphore_mem>>) src(%dma_wait3A_112 : memref<32768xf32, #tpu.memory_space<hbm>>) dst(%dma_wait3A_111 : memref<32768xf32, #tpu.memory_space<vmem_shared>>)
    %add3A_113 = arith.constant 0 : i32
    %add3A_114 = arith.addi %add3A_113, %mul3A_2 : i32
    %add3A_115 = arith.constant 0 : i32
    %add3A_116 = arith.addi %add3A_114, %add3A_115 : i32
    %mul3A_117 = arith.constant 1024 : i32
    %mul3A_118 = arith.muli %add3A_116, %mul3A_117 : i32
    %dma_start3A_119 = tpu.memref_slice %arg4[%mul3A_118] : memref<8388608xf32, #tpu.memory_space<hbm>> -> memref<32768xf32, #tpu.memory_space<hbm>>
    %dma_start3A_120 = arith.constant 0 : i32
    %dma_start3A_121 = tpu.memref_slice %arg5[%arg1, %dma_start3A_120] : memref<16x32768xf32, #tpu.memory_space<vmem_shared>> -> memref<1x32768xf32, #tpu.memory_space<vmem_shared>>
    %dma_start3A_122 = tpu.memref_squeeze %dma_start3A_121 : memref<1x32768xf32, #tpu.memory_space<vmem_shared>> -> memref<32768xf32, #tpu.memory_space<vmem_shared>>
    tpu.enqueue_dma source(%dma_start3A_122 : memref<32768xf32, #tpu.memory_space<vmem_shared>>) target(%dma_start3A_119 : memref<32768xf32, #tpu.memory_space<hbm>>) target_semaphore(%arg7 : memref<!tpu.dma_semaphore, #tpu.memory_space<semaphore_mem>>)
    %add3A_123 = arith.constant 0 : i32
    %add3A_124 = arith.addi %add3A_123, %mul3A_2 : i32
    %add3A_125 = arith.constant 32 : i32
    %add3A_126 = arith.addi %add3A_124, %add3A_125 : i32
    %mul3A_127 = arith.constant 1024 : i32
    %mul3A_128 = arith.muli %add3A_126, %mul3A_127 : i32
    %dma_start3A_129 = tpu.memref_slice %arg4[%mul3A_128] : memref<8388608xf32, #tpu.memory_space<hbm>> -> memref<32768xf32, #tpu.memory_space<hbm>>
    %dma_start3A_130 = arith.constant 0 : i32
    %dma_start3A_131 = tpu.memref_slice %arg5[%arg1, %dma_start3A_130] : memref<16x32768xf32, #tpu.memory_space<vmem_shared>> -> memref<1x32768xf32, #tpu.memory_space<vmem_shared>>
    %dma_start3A_132 = tpu.memref_squeeze %dma_start3A_131 : memref<1x32768xf32, #tpu.memory_space<vmem_shared>> -> memref<32768xf32, #tpu.memory_space<vmem_shared>>
    tpu.enqueue_dma source(%dma_start3A_132 : memref<32768xf32, #tpu.memory_space<vmem_shared>>) target(%dma_start3A_129 : memref<32768xf32, #tpu.memory_space<hbm>>) target_semaphore(%arg7 : memref<!tpu.dma_semaphore, #tpu.memory_space<semaphore_mem>>)
    %add3A_133 = arith.constant 2048 : i32
    %add3A_134 = arith.addi %add3A_133, %mul3A_2 : i32
    %add3A_135 = arith.constant 0 : i32
    %add3A_136 = arith.addi %add3A_134, %add3A_135 : i32
    %mul3A_137 = arith.constant 1024 : i32
    %mul3A_138 = arith.muli %add3A_136, %mul3A_137 : i32
    %dma_start3A_139 = tpu.memref_slice %arg4[%mul3A_138] : memref<8388608xf32, #tpu.memory_space<hbm>> -> memref<32768xf32, #tpu.memory_space<hbm>>
    %dma_start3A_140 = arith.constant 0 : i32
    %dma_start3A_141 = tpu.memref_slice %arg5[%arg1, %dma_start3A_140] : memref<16x32768xf32, #tpu.memory_space<vmem_shared>> -> memref<1x32768xf32, #tpu.memory_space<vmem_shared>>
    %dma_start3A_142 = tpu.memref_squeeze %dma_start3A_141 : memref<1x32768xf32, #tpu.memory_space<vmem_shared>> -> memref<32768xf32, #tpu.memory_space<vmem_shared>>
    tpu.enqueue_dma source(%dma_start3A_142 : memref<32768xf32, #tpu.memory_space<vmem_shared>>) target(%dma_start3A_139 : memref<32768xf32, #tpu.memory_space<hbm>>) target_semaphore(%arg7 : memref<!tpu.dma_semaphore, #tpu.memory_space<semaphore_mem>>)
    %add3A_143 = arith.constant 2048 : i32
    %add3A_144 = arith.addi %add3A_143, %mul3A_2 : i32
    %add3A_145 = arith.constant 32 : i32
    %add3A_146 = arith.addi %add3A_144, %add3A_145 : i32
    %mul3A_147 = arith.constant 1024 : i32
    %mul3A_148 = arith.muli %add3A_146, %mul3A_147 : i32
    %dma_start3A_149 = tpu.memref_slice %arg4[%mul3A_148] : memref<8388608xf32, #tpu.memory_space<hbm>> -> memref<32768xf32, #tpu.memory_space<hbm>>
    %dma_start3A_150 = arith.constant 0 : i32
    %dma_start3A_151 = tpu.memref_slice %arg5[%arg1, %dma_start3A_150] : memref<16x32768xf32, #tpu.memory_space<vmem_shared>> -> memref<1x32768xf32, #tpu.memory_space<vmem_shared>>
    %dma_start3A_152 = tpu.memref_squeeze %dma_start3A_151 : memref<1x32768xf32, #tpu.memory_space<vmem_shared>> -> memref<32768xf32, #tpu.memory_space<vmem_shared>>
    tpu.enqueue_dma source(%dma_start3A_152 : memref<32768xf32, #tpu.memory_space<vmem_shared>>) target(%dma_start3A_149 : memref<32768xf32, #tpu.memory_space<hbm>>) target_semaphore(%arg7 : memref<!tpu.dma_semaphore, #tpu.memory_space<semaphore_mem>>)
    %add3A_153 = arith.constant 4096 : i32
    %add3A_154 = arith.addi %add3A_153, %mul3A_2 : i32
    %add3A_155 = arith.constant 0 : i32
    %add3A_156 = arith.addi %add3A_154, %add3A_155 : i32
    %mul3A_157 = arith.constant 1024 : i32
    %mul3A_158 = arith.muli %add3A_156, %mul3A_157 : i32
    %dma_start3A_159 = tpu.memref_slice %arg4[%mul3A_158] : memref<8388608xf32, #tpu.memory_space<hbm>> -> memref<32768xf32, #tpu.memory_space<hbm>>
    %dma_start3A_160 = arith.constant 0 : i32
    %dma_start3A_161 = tpu.memref_slice %arg5[%arg1, %dma_start3A_160] : memref<16x32768xf32, #tpu.memory_space<vmem_shared>> -> memref<1x32768xf32, #tpu.memory_space<vmem_shared>>
    %dma_start3A_162 = tpu.memref_squeeze %dma_start3A_161 : memref<1x32768xf32, #tpu.memory_space<vmem_shared>> -> memref<32768xf32, #tpu.memory_space<vmem_shared>>
    tpu.enqueue_dma source(%dma_start3A_162 : memref<32768xf32, #tpu.memory_space<vmem_shared>>) target(%dma_start3A_159 : memref<32768xf32, #tpu.memory_space<hbm>>) target_semaphore(%arg7 : memref<!tpu.dma_semaphore, #tpu.memory_space<semaphore_mem>>)
    %add3A_163 = arith.constant 4096 : i32
    %add3A_164 = arith.addi %add3A_163, %mul3A_2 : i32
    %add3A_165 = arith.constant 32 : i32
    %add3A_166 = arith.addi %add3A_164, %add3A_165 : i32
    %mul3A_167 = arith.constant 1024 : i32
    %mul3A_168 = arith.muli %add3A_166, %mul3A_167 : i32
    %dma_start3A_169 = tpu.memref_slice %arg4[%mul3A_168] : memref<8388608xf32, #tpu.memory_space<hbm>> -> memref<32768xf32, #tpu.memory_space<hbm>>
    %dma_start3A_170 = arith.constant 0 : i32
    %dma_start3A_171 = tpu.memref_slice %arg5[%arg1, %dma_start3A_170] : memref<16x32768xf32, #tpu.memory_space<vmem_shared>> -> memref<1x32768xf32, #tpu.memory_space<vmem_shared>>
    %dma_start3A_172 = tpu.memref_squeeze %dma_start3A_171 : memref<1x32768xf32, #tpu.memory_space<vmem_shared>> -> memref<32768xf32, #tpu.memory_space<vmem_shared>>
    tpu.enqueue_dma source(%dma_start3A_172 : memref<32768xf32, #tpu.memory_space<vmem_shared>>) target(%dma_start3A_169 : memref<32768xf32, #tpu.memory_space<hbm>>) target_semaphore(%arg7 : memref<!tpu.dma_semaphore, #tpu.memory_space<semaphore_mem>>)
    %add3A_173 = arith.constant 6144 : i32
    %add3A_174 = arith.addi %add3A_173, %mul3A_2 : i32
    %add3A_175 = arith.constant 0 : i32
    %add3A_176 = arith.addi %add3A_174, %add3A_175 : i32
    %mul3A_177 = arith.constant 1024 : i32
    %mul3A_178 = arith.muli %add3A_176, %mul3A_177 : i32
    %dma_start3A_179 = tpu.memref_slice %arg4[%mul3A_178] : memref<8388608xf32, #tpu.memory_space<hbm>> -> memref<32768xf32, #tpu.memory_space<hbm>>
    %dma_start3A_180 = arith.constant 0 : i32
    %dma_start3A_181 = tpu.memref_slice %arg5[%arg1, %dma_start3A_180] : memref<16x32768xf32, #tpu.memory_space<vmem_shared>> -> memref<1x32768xf32, #tpu.memory_space<vmem_shared>>
    %dma_start3A_182 = tpu.memref_squeeze %dma_start3A_181 : memref<1x32768xf32, #tpu.memory_space<vmem_shared>> -> memref<32768xf32, #tpu.memory_space<vmem_shared>>
    tpu.enqueue_dma source(%dma_start3A_182 : memref<32768xf32, #tpu.memory_space<vmem_shared>>) target(%dma_start3A_179 : memref<32768xf32, #tpu.memory_space<hbm>>) target_semaphore(%arg7 : memref<!tpu.dma_semaphore, #tpu.memory_space<semaphore_mem>>)
    %add3A_183 = arith.constant 6144 : i32
    %add3A_184 = arith.addi %add3A_183, %mul3A_2 : i32
    %add3A_185 = arith.constant 32 : i32
    %add3A_186 = arith.addi %add3A_184, %add3A_185 : i32
    %mul3A_187 = arith.constant 1024 : i32
    %mul3A_188 = arith.muli %add3A_186, %mul3A_187 : i32
    %dma_start3A_189 = tpu.memref_slice %arg4[%mul3A_188] : memref<8388608xf32, #tpu.memory_space<hbm>> -> memref<32768xf32, #tpu.memory_space<hbm>>
    %dma_start3A_190 = arith.constant 0 : i32
    %dma_start3A_191 = tpu.memref_slice %arg5[%arg1, %dma_start3A_190] : memref<16x32768xf32, #tpu.memory_space<vmem_shared>> -> memref<1x32768xf32, #tpu.memory_space<vmem_shared>>
    %dma_start3A_192 = tpu.memref_squeeze %dma_start3A_191 : memref<1x32768xf32, #tpu.memory_space<vmem_shared>> -> memref<32768xf32, #tpu.memory_space<vmem_shared>>
    tpu.enqueue_dma source(%dma_start3A_192 : memref<32768xf32, #tpu.memory_space<vmem_shared>>) target(%dma_start3A_189 : memref<32768xf32, #tpu.memory_space<hbm>>) target_semaphore(%arg7 : memref<!tpu.dma_semaphore, #tpu.memory_space<semaphore_mem>>)
    %dma_wait3A_193 = tpu.memref_slice %arg4[%mul3A_118] : memref<8388608xf32, #tpu.memory_space<hbm>> -> memref<32768xf32, #tpu.memory_space<hbm>>
    %dma_wait3A_194 = arith.constant 0 : i32
    %dma_wait3A_195 = tpu.memref_slice %arg5[%arg1, %dma_wait3A_194] : memref<16x32768xf32, #tpu.memory_space<vmem_shared>> -> memref<1x32768xf32, #tpu.memory_space<vmem_shared>>
    %dma_wait3A_196 = tpu.memref_squeeze %dma_wait3A_195 : memref<1x32768xf32, #tpu.memory_space<vmem_shared>> -> memref<32768xf32, #tpu.memory_space<vmem_shared>>
    tpu.wait_dma2 semaphore(%arg7 : memref<!tpu.dma_semaphore, #tpu.memory_space<semaphore_mem>>) src(%dma_wait3A_196 : memref<32768xf32, #tpu.memory_space<vmem_shared>>) dst(%dma_wait3A_193 : memref<32768xf32, #tpu.memory_space<hbm>>)
    %dma_wait3A_197 = tpu.memref_slice %arg4[%mul3A_128] : memref<8388608xf32, #tpu.memory_space<hbm>> -> memref<32768xf32, #tpu.memory_space<hbm>>
    %dma_wait3A_198 = arith.constant 0 : i32
    %dma_wait3A_199 = tpu.memref_slice %arg5[%arg1, %dma_wait3A_198] : memref<16x32768xf32, #tpu.memory_space<vmem_shared>> -> memref<1x32768xf32, #tpu.memory_space<vmem_shared>>
    %dma_wait3A_200 = tpu.memref_squeeze %dma_wait3A_199 : memref<1x32768xf32, #tpu.memory_space<vmem_shared>> -> memref<32768xf32, #tpu.memory_space<vmem_shared>>
    tpu.wait_dma2 semaphore(%arg7 : memref<!tpu.dma_semaphore, #tpu.memory_space<semaphore_mem>>) src(%dma_wait3A_200 : memref<32768xf32, #tpu.memory_space<vmem_shared>>) dst(%dma_wait3A_197 : memref<32768xf32, #tpu.memory_space<hbm>>)
    %dma_wait3A_201 = tpu.memref_slice %arg4[%mul3A_138] : memref<8388608xf32, #tpu.memory_space<hbm>> -> memref<32768xf32, #tpu.memory_space<hbm>>
    %dma_wait3A_202 = arith.constant 0 : i32
    %dma_wait3A_203 = tpu.memref_slice %arg5[%arg1, %dma_wait3A_202] : memref<16x32768xf32, #tpu.memory_space<vmem_shared>> -> memref<1x32768xf32, #tpu.memory_space<vmem_shared>>
    %dma_wait3A_204 = tpu.memref_squeeze %dma_wait3A_203 : memref<1x32768xf32, #tpu.memory_space<vmem_shared>> -> memref<32768xf32, #tpu.memory_space<vmem_shared>>
    tpu.wait_dma2 semaphore(%arg7 : memref<!tpu.dma_semaphore, #tpu.memory_space<semaphore_mem>>) src(%dma_wait3A_204 : memref<32768xf32, #tpu.memory_space<vmem_shared>>) dst(%dma_wait3A_201 : memref<32768xf32, #tpu.memory_space<hbm>>)
    %dma_wait3A_205 = tpu.memref_slice %arg4[%mul3A_148] : memref<8388608xf32, #tpu.memory_space<hbm>> -> memref<32768xf32, #tpu.memory_space<hbm>>
    %dma_wait3A_206 = arith.constant 0 : i32
    %dma_wait3A_207 = tpu.memref_slice %arg5[%arg1, %dma_wait3A_206] : memref<16x32768xf32, #tpu.memory_space<vmem_shared>> -> memref<1x32768xf32, #tpu.memory_space<vmem_shared>>
    %dma_wait3A_208 = tpu.memref_squeeze %dma_wait3A_207 : memref<1x32768xf32, #tpu.memory_space<vmem_shared>> -> memref<32768xf32, #tpu.memory_space<vmem_shared>>
    tpu.wait_dma2 semaphore(%arg7 : memref<!tpu.dma_semaphore, #tpu.memory_space<semaphore_mem>>) src(%dma_wait3A_208 : memref<32768xf32, #tpu.memory_space<vmem_shared>>) dst(%dma_wait3A_205 : memref<32768xf32, #tpu.memory_space<hbm>>)
    %dma_wait3A_209 = tpu.memref_slice %arg4[%mul3A_158] : memref<8388608xf32, #tpu.memory_space<hbm>> -> memref<32768xf32, #tpu.memory_space<hbm>>
    %dma_wait3A_210 = arith.constant 0 : i32
    %dma_wait3A_211 = tpu.memref_slice %arg5[%arg1, %dma_wait3A_210] : memref<16x32768xf32, #tpu.memory_space<vmem_shared>> -> memref<1x32768xf32, #tpu.memory_space<vmem_shared>>
    %dma_wait3A_212 = tpu.memref_squeeze %dma_wait3A_211 : memref<1x32768xf32, #tpu.memory_space<vmem_shared>> -> memref<32768xf32, #tpu.memory_space<vmem_shared>>
    tpu.wait_dma2 semaphore(%arg7 : memref<!tpu.dma_semaphore, #tpu.memory_space<semaphore_mem>>) src(%dma_wait3A_212 : memref<32768xf32, #tpu.memory_space<vmem_shared>>) dst(%dma_wait3A_209 : memref<32768xf32, #tpu.memory_space<hbm>>)
    %dma_wait3A_213 = tpu.memref_slice %arg4[%mul3A_168] : memref<8388608xf32, #tpu.memory_space<hbm>> -> memref<32768xf32, #tpu.memory_space<hbm>>
    %dma_wait3A_214 = arith.constant 0 : i32
    %dma_wait3A_215 = tpu.memref_slice %arg5[%arg1, %dma_wait3A_214] : memref<16x32768xf32, #tpu.memory_space<vmem_shared>> -> memref<1x32768xf32, #tpu.memory_space<vmem_shared>>
    %dma_wait3A_216 = tpu.memref_squeeze %dma_wait3A_215 : memref<1x32768xf32, #tpu.memory_space<vmem_shared>> -> memref<32768xf32, #tpu.memory_space<vmem_shared>>
    tpu.wait_dma2 semaphore(%arg7 : memref<!tpu.dma_semaphore, #tpu.memory_space<semaphore_mem>>) src(%dma_wait3A_216 : memref<32768xf32, #tpu.memory_space<vmem_shared>>) dst(%dma_wait3A_213 : memref<32768xf32, #tpu.memory_space<hbm>>)
    %dma_wait3A_217 = tpu.memref_slice %arg4[%mul3A_178] : memref<8388608xf32, #tpu.memory_space<hbm>> -> memref<32768xf32, #tpu.memory_space<hbm>>
    %dma_wait3A_218 = arith.constant 0 : i32
    %dma_wait3A_219 = tpu.memref_slice %arg5[%arg1, %dma_wait3A_218] : memref<16x32768xf32, #tpu.memory_space<vmem_shared>> -> memref<1x32768xf32, #tpu.memory_space<vmem_shared>>
    %dma_wait3A_220 = tpu.memref_squeeze %dma_wait3A_219 : memref<1x32768xf32, #tpu.memory_space<vmem_shared>> -> memref<32768xf32, #tpu.memory_space<vmem_shared>>
    tpu.wait_dma2 semaphore(%arg7 : memref<!tpu.dma_semaphore, #tpu.memory_space<semaphore_mem>>) src(%dma_wait3A_220 : memref<32768xf32, #tpu.memory_space<vmem_shared>>) dst(%dma_wait3A_217 : memref<32768xf32, #tpu.memory_space<hbm>>)
    %dma_wait3A_221 = tpu.memref_slice %arg4[%mul3A_188] : memref<8388608xf32, #tpu.memory_space<hbm>> -> memref<32768xf32, #tpu.memory_space<hbm>>
    %dma_wait3A_222 = arith.constant 0 : i32
    %dma_wait3A_223 = tpu.memref_slice %arg5[%arg1, %dma_wait3A_222] : memref<16x32768xf32, #tpu.memory_space<vmem_shared>> -> memref<1x32768xf32, #tpu.memory_space<vmem_shared>>
    %dma_wait3A_224 = tpu.memref_squeeze %dma_wait3A_223 : memref<1x32768xf32, #tpu.memory_space<vmem_shared>> -> memref<32768xf32, #tpu.memory_space<vmem_shared>>
    tpu.wait_dma2 semaphore(%arg7 : memref<!tpu.dma_semaphore, #tpu.memory_space<semaphore_mem>>) src(%dma_wait3A_224 : memref<32768xf32, #tpu.memory_space<vmem_shared>>) dst(%dma_wait3A_221 : memref<32768xf32, #tpu.memory_space<hbm>>)
    return
  }
}

</mosaic_0001>

<sc_bundles>
// kernel: kernel.3.cloned.1.call-start
scs
__scs_entry_jumppad:
0x0: {  	(pc) =	sbr.rel $0x88, $3  }
0x1: {  	(tag) =	ssettag $0x0;
	lr =	simm.s32 $0x1  }
0x2: {  	[smem:$0x3F9F] =	sst lr;
	_ =	strace $0xD0000000  }
0x3: {  	_ = 	snop  }
0x4: {  	_ = 	snop  }
0x5: {  	_ = 	snop  }
0x6: {  	_ = 	snop  }
0x7: {  	_ = 	snop  }
__scs_overlays_trampoline_lowered:
0x8: {  	[smem:$0x3FAE] =	sst s0  }
0x9: {  	[smem:$0x3FAF] =	sst s1  }
0xa: {  	[smem:$0x3FB0] =	sst s2  }
0xb: {  	[smem:$0x3FB1] =	sst s3  }
0xc: {  	[smem:$0x3FB2] =	sst s4  }
0xd: {  	[smem:$0x3FB3] =	sst s5  }
0xe: {  	[smem:$0x3FB4] =	sst s6  }
0xf: {  	[smem:$0x3FB5] =	sst s7  }
0x10: {  	[smem:$0x3FB6] =	sst s8  }
0x11: {  	[smem:$0x3FB7] =	sst s9;
	s0 =	simm.s32 @!p0 $0x0  }
0x12: {  	s1 =	sld [smem:$0x3F9D];
	s0 =	simm.s32 @p0 $0x1  }
0x13: {  	[smem:$0x3FB8] =	sst s0;
	s0 =	simm.s32 @!p1 $0x0  }
0x14: {  	s2 =	sld [smem:$0x3F9C];
	s0 =	simm.s32 @p1 $0x1  }
0x15: {  	[smem:$0x3FB9] =	sst s0;
	s0 =	simm.s32 @!p2 $0x0  }
0x16: {  	s3 =	sld [smem:$0x3FDB];
	s0 =	simm.s32 @p2 $0x1  }
0x17: {  	s4 =	simm.s32 $0x1BF5;
	[smem:$0x3FBB] =	sst s0  }
0x18: {  	s0 =	sld [smem:$0x3F9E];
	_ =	swait.ge [sflag:s4], $0x0  }
0x19: {  	s7 =	sld [smem:$0x3F9F]  }
0x1a: {  	s8 =	sadd.s32 $0xFFFFE003, lr  }
0x1b: {  	s9 =	sadd.s32 $0xFFFFFEF7, lr;
	s5 =	simm.s32 $0xFFFFFFFF;
	p2 =	slt.u32 s8, $0xFFFFF086  }
0x1c: {  	p1 =	slt.u32 s9, $0xF7A;
	s5 =	simm.s32 @!p2 $0x0  }
0x1d: {  	s5 =	simm.s32 @p1 $0x1;
	p0 =	seq.s32 s7, s2  }
0x1e: {  	s7 =	smul.u32 @!p0 $0xF7A, s2;
	p2 =	seq.s32 @!p0 s5, $0x0  }
0x1f: {  	s9 =	smul.u32 $0xF7A, s1;
	s8 =	simm.s32 @!p0 $0x1BF5;
	p2 =	por !p2, p0  }
0x20: {  	[sflag:s8] =	ssyncset.s32 @!p0 $0xFFFFF086;
	s6 =	sadd.s32 @!p0 s3, s7;
	s7 =	simm.s32 @!p0 $0x108  }
0x21: {  	s3 =	sadd.s32 s3, s9;
	s6 =	sadd.s32 @!p0 $0x88, s6;
	s7 =	simm.s32 @p2 $0x1082  }
0x22: {  	[simem:s7], [sflag:s8] =	dma.local @!p0 [hbm:s6], $0xF7A  }
0x23: {  	s9 =	sor.u32 $0xD0000000, s2;
	s6 =	simm.s32 $0x108;
	_ =	swait.ge @!p0 [sflag:s8], $0x0  }
0x24: {  	s3 =	sadd.s32 $0x88, s3;
	s6 =	simm.s32 @!p1 $0x1082;
	[sflag:s4] =	ssyncset.s32 $0xFFFFF086  }
0x25: {  	[simem:s6], [sflag:s4] =	dma.local [hbm:s3], $0xF7A  }
0x26: {  	[smem:$0x3F9F] =	sst s1;
	(tag) =	ssettag s2;
	_ =	strace s9  }
0x27: {  	s1 =	sld [smem:$0x3FAF]  }
0x28: {  	s2 =	sld [smem:$0x3FB0]  }
0x29: {  	s4 =	sld [smem:$0x3FB2]  }
0x2a: {  	p0 =	seq.s32 s5, $0x0;
	s5 =	sld [smem:$0x3FB3]  }
0x2b: {  	s6 =	sld [smem:$0x3FB4]  }
0x2c: {  	s7 =	sld [smem:$0x3FB5]  }
0x2d: {  	s3 =	simm.s32 $0x108;
	s8 =	sld [smem:$0x3FB6]  }
0x2e: {  	s3 =	simm.s32 @!p0 $0x1082;
	s9 =	sld [smem:$0x3FB7]  }
0x2f: {  	lr =	sadd.s32 s0, s3;
	s0 =	sld [smem:$0x3FAE]  }
0x30: {  	s3 =	sld [smem:$0x3FB1]  }
0x31: {  	[smem:$0x3FBA] =	sst s10  }
0x32: {  	s10 =	sld [smem:$0x3FB8];
	_ =	sdelay $0x3  }
0x33: {  	p0 =	seq.s32 s10, $0x1;
	s10 =	sld [smem:$0x3FBA];
	_ =	sdelay $0x3  }
0x34: {  	[smem:$0x3FBA] =	sst s10  }
0x35: {  	s10 =	sld [smem:$0x3FB9];
	_ =	sdelay $0x3  }
0x36: {  	p1 =	seq.s32 s10, $0x1;
	s10 =	sld [smem:$0x3FBA];
	_ =	sdelay $0x3  }
0x37: {  	[smem:$0x3FBA] =	sst s10  }
0x38: {  	s10 =	sld [smem:$0x3FBB]  }
0x39: {  	_ = 	snop;
	(pc) =	sbr.ind lr, $3  }
0x3a: {  	_ = 	snop  }
0x3b: {  	_ = 	snop  }
0x3c: {  	p2 =	seq.s32 s10, $0x1;
	s10 =	sld [smem:$0x3FBA]  }
0x3d: {  	_ =	shalt  }
0x3e: {  	_ =	shalt  }
0x3f: {  	_ =	shalt  }
0x40: {  	_ =	shalt  }
0x41: {  	_ =	shalt  }
0x42: {  	_ =	shalt  }
0x43: {  	_ =	shalt  }
0x44: {  	_ =	shalt  }
0x45: {  	_ =	shalt  }
0x46: {  	_ =	shalt  }
0x47: {  	_ =	shalt  }
0x48: {  	_ =	shalt  }
0x49: {  	_ =	shalt  }
0x4a: {  	_ =	shalt  }
0x4b: {  	_ =	shalt  }
0x4c: {  	_ =	shalt  }
0x4d: {  	_ =	shalt  }
0x4e: {  	_ =	shalt  }
0x4f: {  	_ =	shalt  }
0x50: {  	_ =	shalt  }
0x51: {  	_ =	shalt  }
0x52: {  	_ =	shalt  }
0x53: {  	_ =	shalt  }
0x54: {  	_ =	shalt  }
0x55: {  	_ =	shalt  }
0x56: {  	_ =	shalt  }
0x57: {  	_ =	shalt  }
0x58: {  	_ =	shalt  }
0x59: {  	_ =	shalt  }
0x5a: {  	_ =	shalt  }
0x5b: {  	_ =	shalt  }
0x5c: {  	_ =	shalt  }
0x5d: {  	_ =	shalt  }
0x5e: {  	_ =	shalt  }
0x5f: {  	_ =	shalt  }
0x60: {  	_ =	shalt  }
0x61: {  	_ =	shalt  }
0x62: {  	_ =	shalt  }
0x63: {  	_ =	shalt  }
0x64: {  	_ =	shalt  }
0x65: {  	_ =	shalt  }
0x66: {  	_ =	shalt  }
0x67: {  	_ =	shalt  }
0x68: {  	_ =	shalt  }
0x69: {  	_ =	shalt  }
0x6a: {  	_ =	shalt  }
0x6b: {  	_ =	shalt  }
0x6c: {  	_ =	shalt  }
0x6d: {  	_ =	shalt  }
0x6e: {  	_ =	shalt  }
0x6f: {  	_ =	shalt  }
0x70: {  	_ =	shalt  }
0x71: {  	_ =	shalt  }
0x72: {  	_ =	shalt  }
0x73: {  	_ =	shalt  }
0x74: {  	_ =	shalt  }
0x75: {  	_ =	shalt  }
0x76: {  	_ =	shalt  }
0x77: {  	_ =	shalt  }
0x78: {  	_ =	shalt  }
0x79: {  	_ =	shalt  }
0x7a: {  	_ =	shalt  }
0x7b: {  	_ =	shalt  }
0x7c: {  	_ =	shalt  }
0x7d: {  	_ =	shalt  }
0x7e: {  	_ =	shalt  }
0x7f: {  	_ =	shalt  }
0x80: {  	_ =	shalt  }
0x81: {  	_ =	shalt  }
0x82: {  	_ =	shalt  }
0x83: {  	_ =	shalt  }
0x84: {  	_ =	shalt  }
0x85: {  	_ =	shalt  }
0x86: {  	_ =	shalt  }
0x87: {  	_ =	shalt  }
.Lfunc_end0:
.L_simem_size_0:
called_computation.1_lowered:
.L_overlay_start_0:
0x88: {  	s2 =	sld [smem:$0x3FD9]  }
0x89: {  	s3 =	sld [smem:$0x3FFE];
	_ =	sdelay $0x1  }
0x8a: {  	s1 =	srdreg.scid  }
0x8b: {  	s0 =	sand.u32 $0x1, s1  }
0x8c: {  	s17 =	sshll.u32 s0, $0xA;
	s2 =	sadd.s32 s3, s2  }
0x8d: {  	s2 =	sadd.s32 s2, s17  }
0x8e: {  	[smem:$0x3FC6] =	sst s2  }
0x8f: {  	_ = 	snop  }
0x90: {  	s2 =	sld [smem:$0x3FD0];
	(tm) =	ssettm $0x1  }
0x91: {  	s18 =	sld [smem:$0x3FFB];
	_ =	sdelay $0x3  }
0x92: {  	_ =	strace s18  }
0x93: {  	s3 =	sld [smem:$0x3FFC];
	_ =	sdelay $0x3  }
0x94: {  	_ =	strace s3  }
0x95: {  	s3 =	sld [smem:$0x3FFD];
	_ =	sdelay $0x3  }
0x96: {  	_ =	strace s3  }
0x97: {  	_ =	strace $0x8FFFFFFF  }
0x98: {  	s19 =	sld [smem:$0x3FDB];
	_ =	sdelay $0x1  }
0x99: {  	s4 =	simm.s32 $_scs_section_size  }
0x9a: {  	s5 =	simm.s32 $_size__tile_overlayer_lowered;
	s6 =	simm.s32 $_tile_overlayer_lowered  }
0x9b: {  	s22 =	simm.s32 $0x1BFF;
	s21 =	sshll.u32 s6, $0x1;
	s3 =	sadd.s32 s4, s19  }
0x9c: {  	s7 =	simm.s32 $0x0;
	s20 =	sshll.u32 s5, $0x1;
	s5 =	sadd.s32 s21, s3  }
0x9d: {  	[timem:s7], [sflag:s22] =	dma.local [hbm:s5], s20  }
0x9e: {  	_ =	swait.ge [sflag:s22], s20  }
0x9f: {  	s4 =	ssub.s32 $0x0, s20;
	[sflag:s22] =	ssyncset.done $0x0  }
0xa0: {  	[sflag:s22] =	ssyncadd.s32 s4;
	_ =	sdelay $0x1  }
0xa1: {  	s23 =	simm.s32 $0x1B8B  }
0xa2: {  	_ =	swait.ge [sflag:s23], $0x1  }
0xa3: {  	[sflag:s23] =	ssyncset.done $0x0  }
0xa4: {  	s25 =	simm.s32 $0x1B8E;
	s24 =	sld [smem:$0x3FFE];
	[sflag:s23] =	ssyncadd.s32 $0xFFFFFFFF  }
0xa5: {  	s26 =	simm.s32 $execute0_lowered;
	[smem:$0x3FD2] =	sst s25  }
0xa6: {  	s5 =	sshll.u32 s26, $0x1;
	_ =	strace $0x80000049;
	[dreg:$0x1] =	wrdreg $0xFFFFFFFF  }
0xa7: {  	s28 =	simm.s32 $_size_execute0_lowered;
	s3 =	sadd.s32 s3, s5;
	[dreg:$0x0] =	wrdreg $0x0  }
0xa8: {  	s5 =	sshll.u32 s28, $0x1;
	[dreg:$0x2] =	wrdreg s3  }
0xa9: {  	[dreg:$0x3] =	wrdreg s5  }
0xaa: {  	[dreg:$0x4] =	wrdreg $0xC0  }
0xab: {  	_ =	task [dreg:s7], $0x5FFFF  }
0xac: {  	[dreg:$0x1] =	wrdreg $0xFFFFFFFF  }
0xad: {  	[dreg:$0x0] =	wrdreg $0x60  }
0xae: {  	[dreg:$0x2] =	wrdreg s2  }
0xaf: {  	[dreg:$0x3] =	wrdreg s24  }
0xb0: {  	[dreg:$0x4] =	wrdreg $0x0  }
0xb1: {  	[dreg:$0x5] =	wrdreg $0x9  }
0xb2: {  	_ =	task.clear_ibuf [dreg:s7], $0x6FFFF;
	_ =	strace $0x90000049  }
0xb3: {  	s29 =	simm.s32 $0x9;
	_ =	strace $0x8000004B  }
0xb4: {  	_ =	swait.ge [sflag:s29], $0x1  }
0xb5: {  	[sflag:s29] =	ssyncadd.s32 $0xFFFFFFFF  }
0xb6: {  	_ =	strace $0x9000004B  }
0xb7: {  	_ =	sfence  }
0xb8: {  	s30 =	sld [smem:$0x0];
	_ =	sdelay $0x2  }
0xb9: {  	s31 =	sshll.u32 s1, $0xD;
	s1 =	sshrl.u32 s1, $0x2  }
0xba: {  	s3 =	sand.u32 $0x4000, s31;
	s1 =	sadd.s32 s1, s30  }
0xbb: {  	s0 =	sor.u32 s3, s0;
	s1 =	sshll.u32 s1, $0x11  }
0xbc: {  	s0 =	sor.u32 s1, s0  }
0xbd: {  	s0 =	sadd.s32 $0x8F2B, s0  }
0xbe: {  	[sflag:s0] =	ssyncadd.remote.s32 $0x1  }
0xbf: {  	_ =	sfence.sel $0xFFFF  }
0xc0: {  	[dreg:$0x0] =	wrdreg $0xFFFFFFFF;
	(pc) =	sbr.abs _section_cstart, $3  }
0xc1: {  	[dreg:$0x1] =	wrdreg $0xFFFFFFFF  }
0xc2: {  	_ =	task.clear_ibuf [dreg:s7], $0x2FFFF;
	_ =	strace $0x9FFFFFFF  }
0xc3: {  	(tm) =	ssettm $0x7FFFFFFF  }
tec
execute0_lowered:
.L_overlay_start_1:
0x0: {  	(tag) =	ssettag $0x1  }
0x1: {  	s10 =	rddreg [dreg:$0x0]  }
0x2: {  	s15 =	rddreg [dreg:$0x1]  }
0x3: {  	s2 =	rddreg [dreg:$0x2]  }
0x4: {  	s0 =	rddreg [dreg:$0x3]  }
0x5: {  	s3 =	simm.s32 $0x0;
	s4 =	srdreg.scid;
	s1 =	stileid.u32  }
0x6: {  	s12 =	simm.s32 $0x1;
	s13 =	simm.s32 $0x80;
	s14 =	simm.s32 $0x10  }
0x7: {  	[smem:$0x7FF] =	sst s3;
	s25 =	sand.u32 $0x1, s4;
	s29 =	sshll.u32 s1, $0xF  }
0x8: {  	s30 =	sshll.u32 s1, $0xE;
	s5 =	sshll.u32 s1, $0x7;
	s24 =	sshll.u32 s1, $0x6  }
0x9: {  	s3 =	sand.u32 $0x40000, s29;
	s6 =	sshll.u32 s25, $0xD;
	s5 =	sand.u32 $0x380, s5  }
0xa: {  	_ =	strace $0x8000004A;
	s2 =	sadd.s32 s3, s2;
	s16 =	sor.u32 s6, s30  }
0xb: {  	s3 =	sor.u32 $0x1C01, s24;
	s11 =	sadd.s32 s5, s2;
	s2 =	sadd.s32 s10, s16  }
0xc: {  	s17 =	sor.u32 $0x1000, s16;
	s18 =	sor.u32 $0x40000, s16;
	s19 =	sor.u32 $0x41000, s16  }
0xd: {  	s20 =	sor.u32 $0x80000, s16;
	s21 =	sor.u32 $0x81000, s16;
	s22 =	sor.u32 $0xC0000, s16  }
0xe: {  	s23 =	sor.u32 $0xC1000, s16;
	s4 =	sadd.s32 s10, s17;
	s5 =	sadd.s32 s10, s18  }
0xf: {  	s6 =	sadd.s32 s10, s19;
	s7 =	sadd.s32 s10, s20;
	s8 =	sadd.s32 s10, s21  }
0x10: {  	s9 =	sadd.s32 s10, s22;
	s10 =	sadd.s32 s10, s23;
	s11 =	sshrl.u32 s11, $0x3  }
0x11: {  	[spmem:s11@s13], [sflag:s3] =	dma.strided [hbm:s2@s14], $0x1000, s12, $0x10   }
0x12: {  	[spmem:s11@s13], [sflag:s3] =	dma.strided [hbm:s4@s14], $0x1000, s12, $0x10   }
0x13: {  	[spmem:s11@s13], [sflag:s3] =	dma.strided [hbm:s5@s14], $0x1000, s12, $0x10   }
0x14: {  	[spmem:s11@s13], [sflag:s3] =	dma.strided [hbm:s6@s14], $0x1000, s12, $0x10   }
0x15: {  	[spmem:s11@s13], [sflag:s3] =	dma.strided [hbm:s7@s14], $0x1000, s12, $0x10   }
0x16: {  	[spmem:s11@s13], [sflag:s3] =	dma.strided [hbm:s8@s14], $0x1000, s12, $0x10   }
0x17: {  	[spmem:s11@s13], [sflag:s3] =	dma.strided [hbm:s9@s14], $0x1000, s12, $0x10   }
0x18: {  	[spmem:s11@s13], [sflag:s3] =	dma.strided [hbm:s10@s14], $0x1000, s12, $0x10   }
0x19: {  	_ =	swait.ge [sflag:s12], $0x1000  }
0x1a: {  	[sflag:s12] =	ssyncset.done $0x0  }
0x1b: {  	[sflag:s12] =	ssyncadd.s32 $0xFFFFF000  }
0x1c: {  	_ =	swait.ge [sflag:s12], $0x1000  }
0x1d: {  	[sflag:s12] =	ssyncset.done $0x0  }
0x1e: {  	[sflag:s12] =	ssyncadd.s32 $0xFFFFF000  }
0x1f: {  	_ =	swait.ge [sflag:s12], $0x1000  }
0x20: {  	[sflag:s12] =	ssyncset.done $0x0  }
0x21: {  	[sflag:s12] =	ssyncadd.s32 $0xFFFFF000  }
0x22: {  	_ =	swait.ge [sflag:s12], $0x1000  }
0x23: {  	[sflag:s12] =	ssyncset.done $0x0  }
0x24: {  	[sflag:s12] =	ssyncadd.s32 $0xFFFFF000  }
0x25: {  	_ =	swait.ge [sflag:s12], $0x1000  }
0x26: {  	[sflag:s12] =	ssyncset.done $0x0  }
0x27: {  	[sflag:s12] =	ssyncadd.s32 $0xFFFFF000  }
0x28: {  	_ =	swait.ge [sflag:s12], $0x1000  }
0x29: {  	[sflag:s12] =	ssyncset.done $0x0  }
0x2a: {  	[sflag:s12] =	ssyncadd.s32 $0xFFFFF000  }
0x2b: {  	s26 =	sadd.s32 $0x40A00, s15;
	_ =	swait.ge [sflag:s12], $0x1000  }
0x2c: {  	s24 =	sor.u32 $0x1C02, s24;
	s15 =	sadd.s32 s26, s16;
	[sflag:s12] =	ssyncset.done $0x0  }
0x2d: {  	s16 =	sadd.s32 s26, s17;
	s17 =	sadd.s32 s26, s18;
	[sflag:s12] =	ssyncadd.s32 $0xFFFFF000  }
0x2e: {  	s18 =	sadd.s32 s26, s19;
	s19 =	sadd.s32 s26, s20;
	_ =	swait.ge [sflag:s12], $0x1000  }
0x2f: {  	s20 =	sadd.s32 s26, s21;
	s21 =	sadd.s32 s26, s22;
	[sflag:s12] =	ssyncset.done $0x0  }
0x30: {  	s22 =	sadd.s32 s26, s23;
	s23 =	simm.s32 $0x2;
	[sflag:s12] =	ssyncadd.s32 $0xFFFFF000  }
0x31: {  	[hbm:s15@s14], [sflag:s24] =	dma.strided [spmem:s11@s13], $0x1000, s12, $0x10   }
0x32: {  	[hbm:s16@s14], [sflag:s24] =	dma.strided [spmem:s11@s13], $0x1000, s12, $0x10   }
0x33: {  	[hbm:s17@s14], [sflag:s24] =	dma.strided [spmem:s11@s13], $0x1000, s12, $0x10   }
0x34: {  	[hbm:s18@s14], [sflag:s24] =	dma.strided [spmem:s11@s13], $0x1000, s12, $0x10   }
0x35: {  	[hbm:s19@s14], [sflag:s24] =	dma.strided [spmem:s11@s13], $0x1000, s12, $0x10   }
0x36: {  	[hbm:s20@s14], [sflag:s24] =	dma.strided [spmem:s11@s13], $0x1000, s12, $0x10   }
0x37: {  	[hbm:s21@s14], [sflag:s24] =	dma.strided [spmem:s11@s13], $0x1000, s12, $0x10   }
0x38: {  	[hbm:s22@s14], [sflag:s24] =	dma.strided [spmem:s11@s13], $0x1000, s12, $0x10   }
0x39: {  	_ =	swait.ge [sflag:s23], $0x1000  }
0x3a: {  	[sflag:s23] =	ssyncset.done $0x0  }
0x3b: {  	[sflag:s23] =	ssyncadd.s32 $0xFFFFF000  }
0x3c: {  	_ =	swait.ge [sflag:s23], $0x1000  }
0x3d: {  	[sflag:s23] =	ssyncset.done $0x0  }
0x3e: {  	[sflag:s23] =	ssyncadd.s32 $0xFFFFF000  }
0x3f: {  	_ =	swait.ge [sflag:s23], $0x1000  }
0x40: {  	[sflag:s23] =	ssyncset.done $0x0  }
0x41: {  	[sflag:s23] =	ssyncadd.s32 $0xFFFFF000  }
0x42: {  	_ =	swait.ge [sflag:s23], $0x1000  }
0x43: {  	[sflag:s23] =	ssyncset.done $0x0  }
0x44: {  	[sflag:s23] =	ssyncadd.s32 $0xFFFFF000  }
0x45: {  	_ =	swait.ge [sflag:s23], $0x1000  }
0x46: {  	s25 =	ssub.s32 $0x2, s25;
	[sflag:s23] =	ssyncset.done $0x0  }
0x47: {  	s31 =	sshrl.u32 s25, $0x1;
	[sflag:s23] =	ssyncadd.s32 $0xFFFFF000  }
0x48: {  	s25 =	ssub.s32 s25, s31;
	_ =	swait.ge [sflag:s23], $0x1000  }
0x49: {  	s25 =	smax.u32 s25, $0x1;
	[sflag:s23] =	ssyncset.done $0x0  }
0x4a: {  	p0 =	sne.s32 s25, $0x1;
	[sflag:s23] =	ssyncadd.s32 $0xFFFFF000  }
.Ltmp0:
0x4b: {  	_ =	swait.ge [sflag:s23], $0x1000;
	(pc) =	sbr.rel @!p0 .LBB2_2-.Ltmp0, $4  }
0x4c: {  	[sflag:s23] =	ssyncset.done $0x0  }
0x4d: {  	[sflag:s23] =	ssyncadd.s32 $0xFFFFF000  }
0x4e: {  	_ =	swait.ge [sflag:s23], $0x1000  }
0x4f: {  	s25 =	sadd.s32 $0xFFFFFFFF, s25;
	[sflag:s23] =	ssyncset.done $0x0  }
.LBB2_1:
0x50: {  	p0 =	sne.s32 s25, $0x1;
	s25 =	sadd.s32 $0xFFFFFFFF, s25;
	[sflag:s23] =	ssyncadd.s32 $0xFFFFF000  }
0x51: {  	[spmem:s11@s13], [sflag:s3] =	dma.strided [hbm:s2@s14], $0x1000, s12, $0x10   }
0x52: {  	[spmem:s11@s13], [sflag:s3] =	dma.strided [hbm:s4@s14], $0x1000, s12, $0x10   }
0x53: {  	[spmem:s11@s13], [sflag:s3] =	dma.strided [hbm:s5@s14], $0x1000, s12, $0x10   }
0x54: {  	[spmem:s11@s13], [sflag:s3] =	dma.strided [hbm:s6@s14], $0x1000, s12, $0x10   }
0x55: {  	[spmem:s11@s13], [sflag:s3] =	dma.strided [hbm:s7@s14], $0x1000, s12, $0x10   }
0x56: {  	[spmem:s11@s13], [sflag:s3] =	dma.strided [hbm:s8@s14], $0x1000, s12, $0x10   }
0x57: {  	[spmem:s11@s13], [sflag:s3] =	dma.strided [hbm:s9@s14], $0x1000, s12, $0x10   }
0x58: {  	[spmem:s11@s13], [sflag:s3] =	dma.strided [hbm:s10@s14], $0x1000, s12, $0x10   }
0x59: {  	_ =	swait.ge [sflag:s12], $0x1000  }
0x5a: {  	[sflag:s12] =	ssyncset.done $0x0  }
0x5b: {  	[sflag:s12] =	ssyncadd.s32 $0xFFFFF000  }
0x5c: {  	_ =	swait.ge [sflag:s12], $0x1000  }
0x5d: {  	[sflag:s12] =	ssyncset.done $0x0  }
0x5e: {  	[sflag:s12] =	ssyncadd.s32 $0xFFFFF000  }
0x5f: {  	_ =	swait.ge [sflag:s12], $0x1000  }
0x60: {  	[sflag:s12] =	ssyncset.done $0x0  }
0x61: {  	[sflag:s12] =	ssyncadd.s32 $0xFFFFF000  }
0x62: {  	_ =	swait.ge [sflag:s12], $0x1000  }
0x63: {  	[sflag:s12] =	ssyncset.done $0x0  }
0x64: {  	[sflag:s12] =	ssyncadd.s32 $0xFFFFF000  }
0x65: {  	_ =	swait.ge [sflag:s12], $0x1000  }
0x66: {  	[sflag:s12] =	ssyncset.done $0x0  }
0x67: {  	[sflag:s12] =	ssyncadd.s32 $0xFFFFF000  }
0x68: {  	_ =	swait.ge [sflag:s12], $0x1000  }
0x69: {  	[sflag:s12] =	ssyncset.done $0x0  }
0x6a: {  	[sflag:s12] =	ssyncadd.s32 $0xFFFFF000  }
0x6b: {  	_ =	swait.ge [sflag:s12], $0x1000  }
0x6c: {  	[sflag:s12] =	ssyncset.done $0x0  }
0x6d: {  	[sflag:s12] =	ssyncadd.s32 $0xFFFFF000  }
0x6e: {  	_ =	swait.ge [sflag:s12], $0x1000  }
0x6f: {  	[sflag:s12] =	ssyncset.done $0x0  }
0x70: {  	[sflag:s12] =	ssyncadd.s32 $0xFFFFF000  }
0x71: {  	[hbm:s15@s14], [sflag:s24] =	dma.strided [spmem:s11@s13], $0x1000, s12, $0x10   }
0x72: {  	[hbm:s16@s14], [sflag:s24] =	dma.strided [spmem:s11@s13], $0x1000, s12, $0x10   }
0x73: {  	[hbm:s17@s14], [sflag:s24] =	dma.strided [spmem:s11@s13], $0x1000, s12, $0x10   }
0x74: {  	[hbm:s18@s14], [sflag:s24] =	dma.strided [spmem:s11@s13], $0x1000, s12, $0x10   }
0x75: {  	[hbm:s19@s14], [sflag:s24] =	dma.strided [spmem:s11@s13], $0x1000, s12, $0x10   }
0x76: {  	[hbm:s20@s14], [sflag:s24] =	dma.strided [spmem:s11@s13], $0x1000, s12, $0x10   }
0x77: {  	[hbm:s21@s14], [sflag:s24] =	dma.strided [spmem:s11@s13], $0x1000, s12, $0x10   }
0x78: {  	[hbm:s22@s14], [sflag:s24] =	dma.strided [spmem:s11@s13], $0x1000, s12, $0x10   }
0x79: {  	_ =	swait.ge [sflag:s23], $0x1000  }
0x7a: {  	[sflag:s23] =	ssyncset.done $0x0  }
0x7b: {  	[sflag:s23] =	ssyncadd.s32 $0xFFFFF000  }
0x7c: {  	_ =	swait.ge [sflag:s23], $0x1000  }
0x7d: {  	[sflag:s23] =	ssyncset.done $0x0  }
0x7e: {  	[sflag:s23] =	ssyncadd.s32 $0xFFFFF000  }
0x7f: {  	_ =	swait.ge [sflag:s23], $0x1000  }
0x80: {  	[sflag:s23] =	ssyncset.done $0x0  }
0x81: {  	[sflag:s23] =	ssyncadd.s32 $0xFFFFF000  }
0x82: {  	_ =	swait.ge [sflag:s23], $0x1000  }
0x83: {  	[sflag:s23] =	ssyncset.done $0x0  }
0x84: {  	[sflag:s23] =	ssyncadd.s32 $0xFFFFF000  }
0x85: {  	_ =	swait.ge [sflag:s23], $0x1000  }
0x86: {  	[sflag:s23] =	ssyncset.done $0x0  }
0x87: {  	[sflag:s23] =	ssyncadd.s32 $0xFFFFF000  }
0x88: {  	_ =	swait.ge [sflag:s23], $0x1000  }
0x89: {  	[sflag:s23] =	ssyncset.done $0x0  }
0x8a: {  	[sflag:s23] =	ssyncadd.s32 $0xFFFFF000  }
.Ltmp1:
0x8b: {  	_ =	swait.ge [sflag:s23], $0x1000;
	(pc) =	sbr.rel @p0 .LBB2_1-.Ltmp1, $4  }
0x8c: {  	[sflag:s23] =	ssyncset.done $0x0  }
0x8d: {  	[sflag:s23] =	ssyncadd.s32 $0xFFFFF000  }
0x8e: {  	_ =	swait.ge [sflag:s23], $0x1000  }
0x8f: {  	[sflag:s23] =	ssyncset.done $0x0  }
.LBB2_2:
0x90: {  	[sflag:s23] =	ssyncadd.s32 $0xFFFFF000  }
0x91: {  	_ =	sfence.sel $0x180000  }
0x92: {  	[bflag:$0x0] =	sbarrier.arrive $0xFFFF  }
0x93: {  	p0 =	sne.s32 s1, $0x0;
	_ =	strace $0x9000004A  }
0x94: {  	s0 =	sadd.s32 @!p0 $0x100000, s0;
	[bflag:$0x2] =	sbarrier.arrive $0xFFFF  }
0x95: {  	[sflag:s0] =	ssyncadd.tile.s32 @!p0 $0x1;
	_ =	shalt  }
.Lfunc_end2:
_tile_overlayer_lowered:
.L_overlay_start_2:
0x96: {  	(tag) =	ssettag $0x2  }
0x97: {  	s0 =	rddreg [dreg:$0x0];
	s2 =	stileid.u32  }
0x98: {  	s1 =	rddreg [dreg:$0x1];
	p0 =	sne.s32 s2, $0x0  }
0x99: {  	s3 =	rddreg [dreg:$0x2];
	[bflag:$0x3] =	sbarrier.arrive $0xFFFF;
	s2 =	simm.s32 @!p0 $0x1C03  }
0x9a: {  	[timem:s3], [sflag:s2] =	dma.local @!p0 [hbm:s0], s1  }
0x9b: {  	s0 =	simm.s32 @!p0 $0x3  }
0x9c: {  	_ =	swait.ge @!p0 [sflag:s0], s1  }
0x9d: {  	s1 =	ssub.s32 @!p0 $0x0, s1;
	[sflag:s0] =	ssyncset.done @!p0 $0x0  }
0x9e: {  	[sflag:s0] =	ssyncadd.s32 @!p0 s1  }
0x9f: {  	[bflag:$0x3] =	sbarrier.arrive $0xFFFF  }
0xa0: {  	_ =	shalt  }

// kernel: sparse-core-data-format-call.cloned.1.call-start
scs
called_computation_lowered:
.L_overlay_start_0:
0x0: {  	s2 =	sld [smem:$0x3FD9]  }
0x1: {  	s3 =	sld [smem:$0x3FFE];
	_ =	sdelay $0x1  }
0x2: {  	s1 =	srdreg.scid  }
0x3: {  	s0 =	sand.u32 $0x1, s1  }
0x4: {  	s19 =	sshll.u32 s0, $0xA;
	s2 =	sadd.s32 s3, s2  }
0x5: {  	s2 =	sadd.s32 s2, s19  }
0x6: {  	[smem:$0x3FC6] =	sst s2  }
0x7: {  	_ = 	snop  }
0x8: {  	s2 =	sld [smem:$0x3FC9]  }
0x9: {  	s20 =	sld [smem:$0x3FD0];
	(tm) =	ssettm $0x1  }
0xa: {  	s4 =	sld [smem:$0x3FFB];
	_ =	sdelay $0x3  }
0xb: {  	_ =	strace s4  }
0xc: {  	s4 =	sld [smem:$0x3FFC];
	_ =	sdelay $0x3  }
0xd: {  	_ =	strace s4  }
0xe: {  	s4 =	sld [smem:$0x3FFD];
	_ =	sdelay $0x3  }
0xf: {  	_ =	strace s4  }
0x10: {  	_ =	strace $0x8FFFFFFF  }
0x11: {  	s21 =	sld [smem:$0x3FDB];
	_ =	sdelay $0x1  }
0x12: {  	s5 =	simm.s32 $_scs_section_size  }
0x13: {  	s6 =	simm.s32 $_size__tile_overlayer_lowered;
	s7 =	simm.s32 $_tile_overlayer_lowered  }
0x14: {  	s24 =	simm.s32 $0x1BFF;
	s23 =	sshll.u32 s7, $0x1;
	s4 =	sadd.s32 s5, s21  }
0x15: {  	s8 =	simm.s32 $0x0;
	s22 =	sshll.u32 s6, $0x1;
	s6 =	sadd.s32 s23, s4  }
0x16: {  	[timem:s8], [sflag:s24] =	dma.local [hbm:s6], s22  }
0x17: {  	_ =	swait.ge [sflag:s24], s22  }
0x18: {  	s5 =	ssub.s32 $0x0, s22;
	[sflag:s24] =	ssyncset.done $0x0  }
0x19: {  	[sflag:s24] =	ssyncadd.s32 s5;
	_ =	sdelay $0x1  }
0x1a: {  	s25 =	simm.s32 $0x1B8B  }
0x1b: {  	_ =	swait.ge [sflag:s25], $0x1  }
0x1c: {  	[sflag:s25] =	ssyncset.done $0x0  }
0x1d: {  	s26 =	simm.s32 $0x1B8E;
	[sflag:s25] =	ssyncadd.s32 $0xFFFFFFFF  }
0x1e: {  	s27 =	simm.s32 $execute0_lowered;
	[smem:$0x3FD2] =	sst s26  }
0x1f: {  	s5 =	sshll.u32 s27, $0x1;
	_ =	strace $0x80000046;
	[dreg:$0x1] =	wrdreg $0xFFFFFFFF  }
0x20: {  	s28 =	simm.s32 $_size_execute0_lowered;
	s4 =	sadd.s32 s4, s5;
	[dreg:$0x0] =	wrdreg $0x0  }
0x21: {  	s5 =	sshll.u32 s28, $0x1;
	[dreg:$0x2] =	wrdreg s4  }
0x22: {  	[dreg:$0x3] =	wrdreg s5  }
0x23: {  	[dreg:$0x4] =	wrdreg $0xC0  }
0x24: {  	_ =	task [dreg:s8], $0x5FFFF  }
0x25: {  	[dreg:$0x1] =	wrdreg $0xFFFFFFFF  }
0x26: {  	[dreg:$0x0] =	wrdreg $0x60  }
0x27: {  	[dreg:$0x2] =	wrdreg s2  }
0x28: {  	[dreg:$0x3] =	wrdreg s20  }
0x29: {  	[dreg:$0x4] =	wrdreg $0x9  }
0x2a: {  	_ =	task.clear_ibuf [dreg:s8], $0x5FFFF;
	_ =	strace $0x90000046  }
0x2b: {  	s29 =	simm.s32 $0x9;
	_ =	strace $0x80000048  }
0x2c: {  	_ =	swait.ge [sflag:s29], $0x1  }
0x2d: {  	[sflag:s29] =	ssyncadd.s32 $0xFFFFFFFF  }
0x2e: {  	_ =	strace $0x90000048  }
0x2f: {  	_ =	sfence  }
0x30: {  	s30 =	sld [smem:$0x0];
	_ =	sdelay $0x2  }
0x31: {  	s31 =	sshll.u32 s1, $0xD;
	s1 =	sshrl.u32 s1, $0x2  }
0x32: {  	s3 =	sand.u32 $0x4000, s31;
	s1 =	sadd.s32 s1, s30  }
0x33: {  	s0 =	sor.u32 s3, s0;
	s1 =	sshll.u32 s1, $0x11  }
0x34: {  	s0 =	sor.u32 s1, s0  }
0x35: {  	s0 =	sadd.s32 $0x8F2B, s0  }
0x36: {  	[sflag:s0] =	ssyncadd.remote.s32 $0x1  }
0x37: {  	_ =	sfence.sel $0xFFFF  }
0x38: {  	[dreg:$0x0] =	wrdreg $0xFFFFFFFF;
	(pc) =	sbr.abs _section_cstart, $3  }
0x39: {  	[dreg:$0x1] =	wrdreg $0xFFFFFFFF  }
0x3a: {  	_ =	task.clear_ibuf [dreg:s8], $0x2FFFF;
	_ =	strace $0x9FFFFFFF  }
0x3b: {  	(tm) =	ssettm $0x7FFFFFFF  }
tec
execute0_lowered:
.L_overlay_start_1:
0x0: {  	(tag) =	ssettag $0x1  }
0x1: {  	s0 =	srdreg.scid  }
0x2: {  	s1 =	sshll.u32 s0, $0x4  }
0x3: {  	s2 =	rddreg [dreg:$0x0];
	s0 =	stileid.u32;
	s1 =	sand.u32 $0x10, s1  }
0x4: {  	s4 =	rddreg [dreg:$0x1];
	s1 =	sor.u32 s0, s1  }
0x5: {  	s7 =	simm.s32 $0x1;
	s8 =	simm.s32 $0x2;
	s3 =	sshll.u32 s1, $0x1  }
0x6: {  	s9 =	simm.s32 $0x0;
	s12 =	simm.s32 $0x0;
	s6 =	ssub.s32 $0x400, s3  }
.Ltmp0:
0x7: {  	s11 =	simm.s32 $0x0;
	s5 =	sand.u32 $0x3E, s6;
	(pc) =	sbr.rel .LBB1_1-.Ltmp0, $4  }
0x8: {  	s1 =	rddreg [dreg:$0x2];
	_ =	strace $0x80000047;
	p0 =	sne.s32 s5, $0x0  }
0x9: {  	s6 =	sshrl.u32 s6, $0x6;
	s5 =	simm.s32 $0x1;
	s7 =	simm.s32 @!p0 $0x0  }
0xa: {  	s10 =	smov.u32 s3;
	[sflag:s5] =	ssyncpa.u1 $0x0;
	s6 =	sadd.s32 s7, s6  }
0xb: {  	[sflag:s8] =	ssyncpa.u1 $0x0;
	s8 =	simm.s32 $0x0;
	s7 =	sadd.s32 $0x1, s6  }
.LBB1_9:
0xc: {  	s14 =	sadd.s32 $0x40, s10  }
0xd: {  	p1 =	sgt.s32 s14, $0x3FF  }
0xe: {  	s14 =	smov.u32 @p1 s3;
	p1 =	sne.s32 s11, s7  }
.Ltmp1:
0xf: {  	p0 =	slt.u32 s11, $0x2;
	(pc) =	sbr.rel @!p1 .LBB1_10-.Ltmp1, $4  }
0x10: {  	s13 =	simm.s32 @!p0 $0x2  }
0x11: {  	s15 =	sadd.s32 $0x1, s11;
	_ =	swait.ge @!p0 [sflag:s13], $0x4000  }
0x12: {  	s12 =	smov.u32 s10;
	s9 =	sadd.s32 $0x4000, s9;
	[sflag:s13] =	ssyncset.done @!p0 $0x0  }
0x13: {  	s11 =	smov.u32 s15;
	s10 =	smov.u32 s14;
	[sflag:s13] =	ssyncadd.s32 @!p0 $0xFFFFC000  }
.LBB1_1:
0x14: {  	p0 =	sge.u32 s11, s6  }
0x15: {  	s13 =	sxor.u32 @!p0 $0xFFFFFFFF, s11  }
0x16: {  	s31 =	sadd.s32 $0xFFFFFFFF, s11;
	s14 =	sshll.u32 @!p0 s10, $0xA;
	s13 =	sshll.u32 @!p0 s13, $0xE  }
0x17: {  	s15 =	simm.s32 @!p0 $0x0;
	s14 =	sadd.s32 @!p0 s2, s14;
	s13 =	sand.u32 @!p0 $0x4000, s13  }
0x18: {  	[tilespmem:s13], [sflag:$0x1] =	stream.linear.gather @!p0 [hbm4b:s14+s15], $0x4000, $0x38;
	[tilespmem:$0x10000] =	vst v63  }
0x19: {  	p0 =	sge.u32 s31, s6  }
.Ltmp2:
0x1a: {  	_ = 	snop;
	(pc) =	sbr.rel @p0 .LBB1_9-.Ltmp2, $1  }
0x1b: {  	_ =	sdelay $0x3  }
0x1c: {  	s13 =	sshll.u32 s9, $0x2  }
0x1d: {  	_ =	swait.ge [sflag:s5], $0x4000;
	s14 =	sshll.u32 s11, $0xE;
	s16 =	simm.s32 $0x0  }
0x1e: {  	p1 =	por $0x1, $0x1;
	s13 =	sand.u32 $0x10000, s13;
	[sflag:s5] =	ssyncset.done $0x0  }
0x1f: {  	s14 =	sand.u32 $0x4000, s14;
	s15 =	sshrl.u32 s13, $0x2;
	[sflag:s5] =	ssyncadd.s32 $0xFFFFC000  }
0x20: {  	s13 =	sor.u32 $0x8000, s14;
	s14 =	sadd.s32 $0x8040, s15;
	s15 =	sadd.s32 $0x40, s15  }
.LBB1_3:
0x21: {  	s16 =	sshll.u32 s16, $0x2  }
0x22: {  	p0 =	por p1, p1;
	s17 =	sshra.s32 s16, $0x2  }
0x23: {  	s18 =	simm.s32 $0x0;
	s16 =	sadd.s32 s17, s14;
	s17 =	sadd.s32 s17, s15  }
.LBB1_4:
0x24: {  	v0 =	vmov s17;
	_ =	sdelay $0x3  }
0x25: {  	s20 =	simm.s32 $0x0  }
0x26: {  	v6 =	vld.idx.msk [tilespmem:v0+s20+$0x30 ss:$0x1], $0xffff  }
0x27: {  	v7 =	vld.idx.msk [tilespmem:v0+s20+$0xFFFFFFC0 ss:$0x1], $0xffff  }
0x28: {  	v5 =	vld.idx.msk [tilespmem:v0+s20+$0xFFFFFFD0 ss:$0x1], $0xffff  }
0x29: {  	v4 =	vld.idx.msk [tilespmem:v0+s20+$0xFFFFFFE0 ss:$0x1], $0xffff  }
0x2a: {  	v3 =	vld.idx.msk [tilespmem:v0+s20+$0xFFFFFFF0 ss:$0x1], $0xffff  }
0x2b: {  	v1 =	vld.idx.msk [tilespmem:v0+s20+$0x0 ss:$0x1], $0xffff  }
0x2c: {  	v2 =	vld.idx.msk [tilespmem:v0+s20+$0x10 ss:$0x1], $0xffff;
	[tilespmem:s16+$0x30] =	vst v6  }
0x2d: {  	s19 =	simm.s32 $0x80;
	s21 =	simm.s32 $0x400;
	[tilespmem:s16+$0xFFFFFFC0] =	vst v7;
	v6 =	vld.idx.msk [tilespmem:v0+s20+$0x20 ss:$0x1], $0xffff;
	s20 =	smov.u32 s16  }
.LBB1_5:
0x2e: {  	p1 =	sne.s32 s21, $0xE00;
	v7 =	vld.idx.msk [tilespmem:v0+s19+$0x30 ss:$0x1], $0xffff;
	[tilespmem:s20+$0xFFFFFFD0] =	vst v5  }
0x2f: {  	v8 =	vld.idx.msk [tilespmem:v0+s19+$0xFFFFFFC0 ss:$0x1], $0xffff;
	[tilespmem:s20+$0xFFFFFFE0] =	vst v4  }
0x30: {  	v5 =	vld.idx.msk [tilespmem:v0+s19+$0xFFFFFFD0 ss:$0x1], $0xffff;
	[tilespmem:s20+$0xFFFFFFF0] =	vst v3  }
.Ltmp3:
0x31: {  	v4 =	vld.idx.msk [tilespmem:v0+s19+$0xFFFFFFE0 ss:$0x1], $0xffff;
	[tilespmem:s20+$0x0] =	vst v1;
	(pc) =	sbr.rel @p1 .LBB1_5-.Ltmp3, $4  }
0x32: {  	v3 =	vld.idx.msk [tilespmem:v0+s19+$0xFFFFFFF0 ss:$0x1], $0xffff;
	[tilespmem:s20+$0x10] =	vst v2  }
0x33: {  	v1 =	vld.idx.msk [tilespmem:v0+s19+$0x0 ss:$0x1], $0xffff;
	[tilespmem:s20+$0x20] =	vst v6;
	s20 =	sadd.s32 $0x400, s20  }
0x34: {  	v2 =	vld.idx.msk [tilespmem:v0+s19+$0x10 ss:$0x1], $0xffff;
	[tilespmem:s20+$0x30] =	vst v7  }
0x35: {  	[tilespmem:s20+$0xFFFFFFC0] =	vst v8;
	v6 =	vld.idx.msk [tilespmem:v0+s19+$0x20 ss:$0x1], $0xffff;
	s19 =	sshra.s32 s21, $0x2;
	s21 =	sadd.s32 $0x200, s21  }
0x36: {  	_ =	sdelay $0x2  }
0x37: {  	[tilespmem:s20+$0xFFFFFFD0] =	vst v5  }
0x38: {  	v56 =	vld.idx.msk [tilespmem:v0+s19+$0x30 ss:$0x1], $0xffff;
	[tilespmem:s20+$0xFFFFFFE0] =	vst v4  }
0x39: {  	v57 =	vld.idx.msk [tilespmem:v0+s19+$0xFFFFFFC0 ss:$0x1], $0xffff;
	[tilespmem:s20+$0xFFFFFFF0] =	vst v3  }
0x3a: {  	v58 =	vld.idx.msk [tilespmem:v0+s19+$0xFFFFFFD0 ss:$0x1], $0xffff;
	[tilespmem:s20+$0x0] =	vst v1  }
0x3b: {  	v59 =	vld.idx.msk [tilespmem:v0+s19+$0xFFFFFFE0 ss:$0x1], $0xffff;
	[tilespmem:s20+$0x10] =	vst v2  }
0x3c: {  	v60 =	vld.idx.msk [tilespmem:v0+s19+$0xFFFFFFF0 ss:$0x1], $0xffff;
	s31 =	sadd.s32 $0x400, s20;
	[tilespmem:s20+$0x20] =	vst v6  }
0x3d: {  	v61 =	vld.idx.msk [tilespmem:v0+s19+$0x0 ss:$0x1], $0xffff;
	[tilespmem:s31+$0x30] =	vst v56  }
0x3e: {  	v62 =	vld.idx.msk [tilespmem:v0+s19+$0x10 ss:$0x1], $0xffff;
	s18 =	sadd.s32 $0x1, s18;
	[tilespmem:s31+$0xFFFFFFC0] =	vst v57  }
0x3f: {  	v63 =	vld.idx.msk [tilespmem:v0+s19+$0x20 ss:$0x1], $0xffff;
	p1 =	sne.s32 s18, $0x8;
	[tilespmem:s31+$0xFFFFFFD0] =	vst v58  }
.Ltmp4:
0x40: {  	[tilespmem:s31+$0xFFFFFFE0] =	vst v59;
	(pc) =	sbr.rel @p1 .LBB1_4-.Ltmp4, $4  }
0x41: {  	[tilespmem:s31+$0xFFFFFFF0] =	vst v60  }
0x42: {  	[tilespmem:s31+$0x0] =	vst v61  }
0x43: {  	[tilespmem:s31+$0x10] =	vst v62  }
0x44: {  	s16 =	sadd.s32 $0x80, s16;
	s17 =	sadd.s32 $0x400, s17;
	[tilespmem:s31+$0x20] =	vst v63  }
.Ltmp5:
0x45: {  	(pc) =	sbr.rel @p0 .LBB1_3-.Ltmp5, $2  }
0x46: {  	_ =	sdelay $0x2  }
0x47: {  	s16 =	simm.s32 $0x2000;
	p1 =	por $0x0, $0x0  }
.Ltmp6:
0x48: {  	(pc) =	sbr.rel .LBB1_9-.Ltmp6, $4  }
0x49: {  	_ = 	snop  }
0x4a: {  	s12 =	sshll.u32 s12, $0xA  }
0x4b: {  	s12 =	sadd.s32 s4, s12  }
0x4c: {  	[hbm4b:s12+s8] =	stream.linear.scatter [tilespmem:s13], [sflag:$0x2], $0x4000, $0x38;
	[tilespmem:$0x10000] =	vst v63  }
.LBB1_10:
0x4d: {  	_ =	sfence.sel $0x180000  }
0x4e: {  	s2 =	simm.s32 $0x1;
	[bflag:$0x0] =	sbarrier.arrive $0xFFFF  }
0x4f: {  	s31 =	simm.s32 $0x2;
	[sflag:s2] =	ssyncpa.u1 $0x1  }
0x50: {  	[sflag:s31] =	ssyncpa.u1 $0x1  }
0x51: {  	p0 =	sne.s32 s0, $0x0;
	_ =	strace $0x90000047  }
0x52: {  	s0 =	sadd.s32 @!p0 $0x100000, s1;
	[bflag:$0x2] =	sbarrier.arrive $0xFFFF  }
0x53: {  	[sflag:s0] =	ssyncadd.tile.s32 @!p0 $0x1;
	_ =	shalt  }
.Lfunc_end1:
_tile_overlayer_lowered:
.L_overlay_start_2:
0x54: {  	(tag) =	ssettag $0x2  }
0x55: {  	s0 =	rddreg [dreg:$0x0];
	s2 =	stileid.u32  }
0x56: {  	s1 =	rddreg [dreg:$0x1];
	p0 =	sne.s32 s2, $0x0  }
0x57: {  	s3 =	rddreg [dreg:$0x2];
	[bflag:$0x3] =	sbarrier.arrive $0xFFFF;
	s2 =	simm.s32 @!p0 $0x1C01  }
0x58: {  	[timem:s3], [sflag:s2] =	dma.local @!p0 [hbm:s0], s1  }
0x59: {  	s0 =	simm.s32 @!p0 $0x1  }
0x5a: {  	_ =	swait.ge @!p0 [sflag:s0], s1  }
0x5b: {  	s1 =	ssub.s32 @!p0 $0x0, s1;
	[sflag:s0] =	ssyncset.done @!p0 $0x0  }
0x5c: {  	[sflag:s0] =	ssyncadd.s32 @!p0 s1  }
0x5d: {  	[bflag:$0x3] =	sbarrier.arrive $0xFFFF  }
0x5e: {  	_ =	shalt  }

</sc_bundles>
